<compile_context>
chip_gen: v7x
topology: tpu7x:2x2x1
jax: 0.10.2.dev20260603
libtpu: 0.0.44.dev20260713+nightly
codegen_flags: <defaults>
</compile_context>

<pallas_src>
import functools

import jax
import jax.numpy as jnp
from jax import lax
from jax.experimental import pallas as pl
from jax.experimental.pallas import tpu as pltpu
from jax.experimental.pallas import tpu_sc as plsc

_NC = 2
_NS = 16
_NW = _NC * _NS
_CHUNK = 128
_NBUF = 4
_PW = 128


@functools.cache
def _make_gather(n_rows):
    assert n_rows % (_NW * _CHUNK) == 0
    n_chunks = n_rows // (_NW * _CHUNK)
    per_w = n_chunks * _CHUNK
    mesh = plsc.VectorSubcoreMesh(core_axis_name="c", subcore_axis_name="s")

    @functools.partial(
        pl.kernel,
        out_type=jax.ShapeDtypeStruct((n_rows, _PW), jnp.float32),
        mesh=mesh,
        scratch_types=[
            pltpu.VMEM((n_chunks, _CHUNK), jnp.int32),
            *[pltpu.VMEM((_CHUNK, _PW), jnp.float32) for _ in range(_NBUF)],
            pltpu.SemaphoreType.DMA,
        ],
        compiler_params=pltpu.CompilerParams(
            use_tc_tiling_on_sc=False, needs_layout_passes=False
        ),
    )
    def gather(table_hbm, idx_hbm, out_hbm, idx_v, *rest):
        bufs, g_sem = rest[:_NBUF], rest[_NBUF]
        wid = lax.axis_index("s") * _NC + lax.axis_index("c")
        pltpu.sync_copy(idx_hbm.at[wid], idx_v)
        base = wid * per_w

        for b in range(_NBUF):
            pltpu.async_copy(table_hbm.at[idx_v.at[b]], bufs[b], g_sem)

        def body(step, carry):
            c0 = step * _NBUF
            for b in range(_NBUF):
                c = c0 + b
                pltpu.make_async_copy(
                    table_hbm.at[idx_v.at[c]], bufs[b], g_sem
                ).wait()
                pltpu.sync_copy(
                    bufs[b], out_hbm.at[pl.ds(base + c * _CHUNK, _CHUNK)]
                )

                @pl.when(c + _NBUF < n_chunks)
                def _():
                    pltpu.async_copy(
                        table_hbm.at[idx_v.at[c + _NBUF]], bufs[b], g_sem
                    )

            return carry

        lax.fori_loop(0, n_chunks // _NBUF, body, 0)

    return gather


def _mlp_body(*refs):
    *flat_refs, w1_ref, b1_ref, w2_ref, b2_ref, out_ref = refs
    window = len(flat_refs)
    w1 = w1_ref[...].astype(jnp.bfloat16)
    acc = b1_ref[...]
    for w in range(window):
        acc += jnp.dot(
            flat_refs[w][...].astype(jnp.bfloat16),
            w1[w * _PW : (w + 1) * _PW, :],
            preferred_element_type=jnp.float32,
        )
    h = jnp.tanh(acc)
    w2 = w2_ref[...].astype(jnp.bfloat16)
    out_ref[...] = (
        jnp.dot(h.astype(jnp.bfloat16), w2, preferred_element_type=jnp.float32)
        + b2_ref[...]
    )


@functools.cache
def _make_mlp(batch, window, d_hidden, d_out, bm):
    grid = (batch // bm,)
    nblk = batch // bm
    return pl.pallas_call(
        _mlp_body,
        grid=grid,
        in_specs=[
            *[
                pl.BlockSpec((bm, _PW), lambda i, w=w: (i + w * nblk, 0))
                for w in range(window)
            ],
            pl.BlockSpec((window * _PW, d_hidden), lambda i: (0, 0)),
            pl.BlockSpec((1, d_hidden), lambda i: (0, 0)),
            pl.BlockSpec((d_hidden, d_out), lambda i: (0, 0)),
            pl.BlockSpec((1, d_out), lambda i: (0, 0)),
        ],
        out_specs=pl.BlockSpec((bm, d_out), lambda i: (i, 0)),
        out_shape=jax.ShapeDtypeStruct((batch, d_out), jnp.float32),
    )


def kernel(x, table, W1, b1, W2, b2):
    batch, window = x.shape
    vocab, emb = table.shape
    hidden = W1.shape[1]
    n_rows = batch * window
    tbl = jnp.pad(table, ((0, 0), (0, _PW - emb)))
    idx = x.T.astype(jnp.int32).reshape(_NW, n_rows // (_NW * _CHUNK), _CHUNK)
    gathered = _make_gather(n_rows)(tbl, idx)
    w1p = jnp.concatenate(
        [
            W1.reshape(window, emb, hidden),
            jnp.zeros((window, _PW - emb, hidden), W1.dtype),
        ],
        axis=1,
    ).reshape(window * _PW, hidden)
    mlp = _make_mlp(batch, window, hidden, W2.shape[1], 2048)
    return mlp(
        *([gathered] * window),
        w1p,
        b1.reshape(1, -1),
        W2,
        b2.reshape(1, -1),
    )

# --- scband reference (transcript-rebuilt; emitter-appended) ---
"""Pipeline reference for scband-window-tagger-42872363548954 (READ-ONLY COPY).

The authoritative reference and input builder live on the scoring server;
editing this copy changes nothing except your own understanding.
"""

import jax, jax.numpy as jnp
import numpy as np

VOCAB = 1000000
EMB = 64
CTX = 2
WINDOW = 2 * CTX + 1
HIDDEN = 128
NUM_TAGS = 50
BATCH = 16384


def setup_inputs(seed: int = 0) -> dict:
    key = jax.random.key(seed)
    k_x, k_tab, k_w1, k_b1, k_w2, k_b2 = jax.random.split(key, 6)
    x = jax.random.randint(k_x, (BATCH, WINDOW), 0, VOCAB, dtype=jnp.int64 if jax.config.read('jax_enable_x64') else jnp.int32)
    # embedding table (nn.Embedding default init: N(0,1))
    table = jax.random.normal(k_tab, (VOCAB, EMB), dtype=jnp.float32)
    # fc1: Linear(window*emb -> hidden), kaiming-uniform-ish bounds
    fan_in1 = WINDOW * EMB
    bound1 = 1.0 / np.sqrt(fan_in1)
    W1 = jax.random.uniform(k_w1, (fan_in1, HIDDEN), minval=-bound1, maxval=bound1, dtype=jnp.float32)
    b1 = jax.random.uniform(k_b1, (HIDDEN,), minval=-bound1, maxval=bound1, dtype=jnp.float32)
    fan_in2 = HIDDEN
    bound2 = 1.0 / np.sqrt(fan_in2)
    W2 = jax.random.uniform(k_w2, (fan_in2, NUM_TAGS), minval=-bound2, maxval=bound2, dtype=jnp.float32)
    b2 = jax.random.uniform(k_b2, (NUM_TAGS,), minval=-bound2, maxval=bound2, dtype=jnp.float32)
    return {"x": x, "table": table, "W1": W1, "b1": b1, "W2": W2, "b2": b2}


def reference(x, table, W1, b1, W2, b2):
    # embedding lookup (gather)
    emb = jnp.take(table, x, axis=0)            # [B, WINDOW, EMB]
    flat = emb.reshape(x.shape[0], -1)          # [B, WINDOW*EMB]
    hidden = jnp.tanh(flat @ W1 + b1)           # [B, HIDDEN]
    out = hidden @ W2 + b2                      # [B, NUM_TAGS]
    return out

if __name__ == "__main__":
    import jax
    _d = setup_inputs()
    print(jax.jit(kernel)(*tuple(_d.values())))

</pallas_src>

<mosaic_0001>
#map = affine_map<(d0, d1) -> (0, 0)>
#map1 = affine_map<(d0, d1) -> (0, 0, 0)>
module attributes {stable_mosaic.version = 14 : i64} {
  func.func @gather(%arg0: i32, %arg1: i32, %arg2: memref<1000000x128xf32, #tpu.memory_space<hbm>>, %arg3: memref<32x20x128xi32, #tpu.memory_space<hbm>>, %arg4: memref<81920x128xf32, #tpu.memory_space<hbm>>, %arg5: memref<20x128xi32, #tpu.memory_space<vmem>>, %arg6: memref<128x128xf32, #tpu.memory_space<vmem>>, %arg7: memref<128x128xf32, #tpu.memory_space<vmem>>, %arg8: memref<128x128xf32, #tpu.memory_space<vmem>>, %arg9: memref<128x128xf32, #tpu.memory_space<vmem>>, %arg10: memref<!tpu.dma_semaphore, #tpu.memory_space<semaphore_mem>>) attributes {dimension_semantics = [#tpu.dimension_semantics<core_parallel>, #tpu.dimension_semantics<subcore_parallel>], iteration_bounds = array<i64: 2, 16>, scalar_prefetch = 0 : i64, scratch_operands = 6 : i64, tpu.core_type = #tpu.core_type<sc_vector_subcore>, window_params = [{transform_indices = #map}, {transform_indices = #map1}, {transform_indices = #map}]} {
    %mul3A = arith.constant 2 : i32
    %mul3A_0 = arith.muli %arg1, %mul3A : i32
    %add3A = arith.addi %mul3A_0, %arg0 : i32
    "tpu.region"() ({
      %run_scoped3A = tpu.sem_alloc : memref<!tpu.dma_semaphore, #tpu.memory_space<semaphore_mem>>
      %dma_start3A_35 = arith.constant 0 : i32
      %dma_start3A_36 = arith.constant 0 : i32
      %dma_start3A_37 = tpu.memref_slice %arg3[%add3A, %dma_start3A_35, %dma_start3A_36] : memref<32x20x128xi32, #tpu.memory_space<hbm>> -> memref<1x20x128xi32, #tpu.memory_space<hbm>>
      %dma_start3A_38 = tpu.memref_squeeze %dma_start3A_37 : memref<1x20x128xi32, #tpu.memory_space<hbm>> -> memref<20x128xi32, #tpu.memory_space<hbm>>
      %dma_start3A_39 = arith.constant 0 : i32
      %dma_start3A_40 = arith.constant 0 : i32
      %dma_start3A_41 = tpu.memref_slice %arg3[%add3A, %dma_start3A_39, %dma_start3A_40] : memref<32x20x128xi32, #tpu.memory_space<hbm>> -> memref<1x20x128xi32, #tpu.memory_space<hbm>>
      %dma_start3A_42 = tpu.memref_squeeze %dma_start3A_41 : memref<1x20x128xi32, #tpu.memory_space<hbm>> -> memref<20x128xi32, #tpu.memory_space<hbm>>
      tpu.enqueue_dma source(%dma_start3A_42 : memref<20x128xi32, #tpu.memory_space<hbm>>) target(%arg5 : memref<20x128xi32, #tpu.memory_space<vmem>>) target_semaphore(%run_scoped3A : memref<!tpu.dma_semaphore, #tpu.memory_space<semaphore_mem>>)
      %dma_wait3A = arith.constant 0 : i32
      %dma_wait3A_43 = arith.constant 0 : i32
      %dma_wait3A_44 = tpu.memref_slice %arg3[%add3A, %dma_wait3A, %dma_wait3A_43] : memref<32x20x128xi32, #tpu.memory_space<hbm>> -> memref<1x20x128xi32, #tpu.memory_space<hbm>>
      %dma_wait3A_45 = tpu.memref_squeeze %dma_wait3A_44 : memref<1x20x128xi32, #tpu.memory_space<hbm>> -> memref<20x128xi32, #tpu.memory_space<hbm>>
      %dma_wait3A_46 = arith.constant 0 : i32
      %dma_wait3A_47 = arith.constant 0 : i32
      %dma_wait3A_48 = tpu.memref_slice %arg3[%add3A, %dma_wait3A_46, %dma_wait3A_47] : memref<32x20x128xi32, #tpu.memory_space<hbm>> -> memref<1x20x128xi32, #tpu.memory_space<hbm>>
      %dma_wait3A_49 = tpu.memref_squeeze %dma_wait3A_48 : memref<1x20x128xi32, #tpu.memory_space<hbm>> -> memref<20x128xi32, #tpu.memory_space<hbm>>
      tpu.wait_dma2 semaphore(%run_scoped3A : memref<!tpu.dma_semaphore, #tpu.memory_space<semaphore_mem>>) src(%dma_wait3A_49 : memref<20x128xi32, #tpu.memory_space<hbm>>) dst(%arg5 : memref<20x128xi32, #tpu.memory_space<vmem>>)
      tpu.yield
    }) : () -> ()
    %mul3A_1 = arith.constant 2560 : i32
    %mul3A_2 = arith.muli %add3A, %mul3A_1 : i32
    %dma_start3A = arith.constant 0 : i32
    %dma_start3A_3 = arith.constant 0 : i32
    %dma_start3A_4 = tpu.memref_slice %arg5[%dma_start3A, %dma_start3A_3] : memref<20x128xi32, #tpu.memory_space<vmem>> -> memref<1x128xi32, #tpu.memory_space<vmem>>
    %dma_start3A_5 = tpu.memref_squeeze %dma_start3A_4 : memref<1x128xi32, #tpu.memory_space<vmem>> -> memref<128xi32, #tpu.memory_space<vmem>>
    %dma_start3A_6 = arith.constant 0 : i32
    %dma_start3A_7 = arith.constant 0 : i32
    %dma_start3A_8 = tpu.memref_slice %arg2[%dma_start3A_6, %dma_start3A_7] : memref<1000000x128xf32, #tpu.memory_space<hbm>> -> memref<1000000x128xf32, #tpu.memory_space<hbm>>
    tpu.enqueue_indirect_dma source(%dma_start3A_8 : memref<1000000x128xf32, #tpu.memory_space<hbm>>) target(%arg6 : memref<128x128xf32, #tpu.memory_space<vmem>>) offsets(%dma_start3A_5 : memref<128xi32, #tpu.memory_space<vmem>>) semaphore(%arg10 : memref<!tpu.dma_semaphore, #tpu.memory_space<semaphore_mem>>)
    %dma_start3A_9 = arith.constant 1 : i32
    %dma_start3A_10 = arith.constant 0 : i32
    %dma_start3A_11 = tpu.memref_slice %arg5[%dma_start3A_9, %dma_start3A_10] : memref<20x128xi32, #tpu.memory_space<vmem>> -> memref<1x128xi32, #tpu.memory_space<vmem>>
    %dma_start3A_12 = tpu.memref_squeeze %dma_start3A_11 : memref<1x128xi32, #tpu.memory_space<vmem>> -> memref<128xi32, #tpu.memory_space<vmem>>
    %dma_start3A_13 = arith.constant 0 : i32
    %dma_start3A_14 = arith.constant 0 : i32
    %dma_start3A_15 = tpu.memref_slice %arg2[%dma_start3A_13, %dma_start3A_14] : memref<1000000x128xf32, #tpu.memory_space<hbm>> -> memref<1000000x128xf32, #tpu.memory_space<hbm>>
    tpu.enqueue_indirect_dma source(%dma_start3A_15 : memref<1000000x128xf32, #tpu.memory_space<hbm>>) target(%arg7 : memref<128x128xf32, #tpu.memory_space<vmem>>) offsets(%dma_start3A_12 : memref<128xi32, #tpu.memory_space<vmem>>) semaphore(%arg10 : memref<!tpu.dma_semaphore, #tpu.memory_space<semaphore_mem>>)
    %dma_start3A_16 = arith.constant 2 : i32
    %dma_start3A_17 = arith.constant 0 : i32
    %dma_start3A_18 = tpu.memref_slice %arg5[%dma_start3A_16, %dma_start3A_17] : memref<20x128xi32, #tpu.memory_space<vmem>> -> memref<1x128xi32, #tpu.memory_space<vmem>>
    %dma_start3A_19 = tpu.memref_squeeze %dma_start3A_18 : memref<1x128xi32, #tpu.memory_space<vmem>> -> memref<128xi32, #tpu.memory_space<vmem>>
    %dma_start3A_20 = arith.constant 0 : i32
    %dma_start3A_21 = arith.constant 0 : i32
    %dma_start3A_22 = tpu.memref_slice %arg2[%dma_start3A_20, %dma_start3A_21] : memref<1000000x128xf32, #tpu.memory_space<hbm>> -> memref<1000000x128xf32, #tpu.memory_space<hbm>>
    tpu.enqueue_indirect_dma source(%dma_start3A_22 : memref<1000000x128xf32, #tpu.memory_space<hbm>>) target(%arg8 : memref<128x128xf32, #tpu.memory_space<vmem>>) offsets(%dma_start3A_19 : memref<128xi32, #tpu.memory_space<vmem>>) semaphore(%arg10 : memref<!tpu.dma_semaphore, #tpu.memory_space<semaphore_mem>>)
    %dma_start3A_23 = arith.constant 3 : i32
    %dma_start3A_24 = arith.constant 0 : i32
    %dma_start3A_25 = tpu.memref_slice %arg5[%dma_start3A_23, %dma_start3A_24] : memref<20x128xi32, #tpu.memory_space<vmem>> -> memref<1x128xi32, #tpu.memory_space<vmem>>
    %dma_start3A_26 = tpu.memref_squeeze %dma_start3A_25 : memref<1x128xi32, #tpu.memory_space<vmem>> -> memref<128xi32, #tpu.memory_space<vmem>>
    %dma_start3A_27 = arith.constant 0 : i32
    %dma_start3A_28 = arith.constant 0 : i32
    %dma_start3A_29 = tpu.memref_slice %arg2[%dma_start3A_27, %dma_start3A_28] : memref<1000000x128xf32, #tpu.memory_space<hbm>> -> memref<1000000x128xf32, #tpu.memory_space<hbm>>
    tpu.enqueue_indirect_dma source(%dma_start3A_29 : memref<1000000x128xf32, #tpu.memory_space<hbm>>) target(%arg9 : memref<128x128xf32, #tpu.memory_space<vmem>>) offsets(%dma_start3A_26 : memref<128xi32, #tpu.memory_space<vmem>>) semaphore(%arg10 : memref<!tpu.dma_semaphore, #tpu.memory_space<semaphore_mem>>)
    %scan3A = arith.constant 0 : i32
    %scan3A_30 = arith.constant 0 : i32
    %scan3A_31 = arith.constant 5 : i32
    %scan3A_32 = arith.addi %scan3A_30, %scan3A_31 : i32
    %scan3A_33 = arith.constant 1 : i32
    scf.for %scan3A_35 = %scan3A_30 to %scan3A_32 step %scan3A_33  : i32 {
      %mul3A_36 = arith.constant 4 : i32
      %mul3A_37 = arith.muli %scan3A_35, %mul3A_36 : i32
      %add3A_38 = arith.constant 0 : i32
      %add3A_39 = arith.addi %mul3A_37, %add3A_38 : i32
      %dma_wait3A = arith.constant 0 : i32
      %dma_wait3A_40 = tpu.memref_slice %arg5[%add3A_39, %dma_wait3A] : memref<20x128xi32, #tpu.memory_space<vmem>> -> memref<1x128xi32, #tpu.memory_space<vmem>>
      %dma_wait3A_41 = tpu.memref_squeeze %dma_wait3A_40 : memref<1x128xi32, #tpu.memory_space<vmem>> -> memref<128xi32, #tpu.memory_space<vmem>>
      %dma_wait3A_42 = arith.constant 0 : i32
      %dma_wait3A_43 = arith.constant 0 : i32
      %dma_wait3A_44 = tpu.memref_slice %arg2[%dma_wait3A_42, %dma_wait3A_43] : memref<1000000x128xf32, #tpu.memory_space<hbm>> -> memref<1000000x128xf32, #tpu.memory_space<hbm>>
      tpu.wait_indirect_dma semaphore(%arg10 : memref<!tpu.dma_semaphore, #tpu.memory_space<semaphore_mem>>) src(%dma_wait3A_44 : memref<1000000x128xf32, #tpu.memory_space<hbm>>) dst(%arg6 : memref<128x128xf32, #tpu.memory_space<vmem>>)
      %mul3A_45 = arith.constant 128 : i32
      %mul3A_46 = arith.muli %add3A_39, %mul3A_45 : i32
      %add3A_47 = arith.addi %mul3A_2, %mul3A_46 : i32
      "tpu.region"() ({
        %run_scoped3A = tpu.sem_alloc : memref<!tpu.dma_semaphore, #tpu.memory_space<semaphore_mem>>
        %dma_start3A_106 = arith.constant 0 : i32
        %dma_start3A_107 = tpu.memref_slice %arg4[%add3A_47, %dma_start3A_106] : memref<81920x128xf32, #tpu.memory_space<hbm>> -> memref<128x128xf32, #tpu.memory_space<hbm>>
        %dma_start3A_108 = arith.constant 0 : i32
        %dma_start3A_109 = tpu.memref_slice %arg4[%add3A_47, %dma_start3A_108] : memref<81920x128xf32, #tpu.memory_space<hbm>> -> memref<128x128xf32, #tpu.memory_space<hbm>>
        tpu.enqueue_dma source(%arg6 : memref<128x128xf32, #tpu.memory_space<vmem>>) target(%dma_start3A_109 : memref<128x128xf32, #tpu.memory_space<hbm>>) target_semaphore(%run_scoped3A : memref<!tpu.dma_semaphore, #tpu.memory_space<semaphore_mem>>)
        %dma_wait3A_110 = arith.constant 0 : i32
        %dma_wait3A_111 = tpu.memref_slice %arg4[%add3A_47, %dma_wait3A_110] : memref<81920x128xf32, #tpu.memory_space<hbm>> -> memref<128x128xf32, #tpu.memory_space<hbm>>
        %dma_wait3A_112 = arith.constant 0 : i32
        %dma_wait3A_113 = tpu.memref_slice %arg4[%add3A_47, %dma_wait3A_112] : memref<81920x128xf32, #tpu.memory_space<hbm>> -> memref<128x128xf32, #tpu.memory_space<hbm>>
        tpu.wait_dma2 semaphore(%run_scoped3A : memref<!tpu.dma_semaphore, #tpu.memory_space<semaphore_mem>>) src(%arg6 : memref<128x128xf32, #tpu.memory_space<vmem>>) dst(%dma_wait3A_113 : memref<128x128xf32, #tpu.memory_space<hbm>>)
        tpu.yield
      }) : () -> ()
      %add3A_48 = arith.constant 4 : i32
      %add3A_49 = arith.addi %add3A_39, %add3A_48 : i32
      %lt3A = arith.constant 20 : i32
      %lt3A_50 = arith.cmpi slt, %add3A_49, %lt3A : i32
      %convert_element_type3A = arith.extui %lt3A_50 : i1 to i32
      %cond3A = arith.constant 0 : i32
      %cond3A_51 = arith.cmpi ne, %convert_element_type3A, %cond3A : i32
      scf.if %cond3A_51 {
        %add3A_106 = arith.constant 4 : i32
        %add3A_107 = arith.addi %add3A_39, %add3A_106 : i32
        %dma_start3A_108 = arith.constant 0 : i32
        %dma_start3A_109 = tpu.memref_slice %arg5[%add3A_107, %dma_start3A_108] : memref<20x128xi32, #tpu.memory_space<vmem>> -> memref<1x128xi32, #tpu.memory_space<vmem>>
        %dma_start3A_110 = tpu.memref_squeeze %dma_start3A_109 : memref<1x128xi32, #tpu.memory_space<vmem>> -> memref<128xi32, #tpu.memory_space<vmem>>
        %dma_start3A_111 = arith.constant 0 : i32
        %dma_start3A_112 = arith.constant 0 : i32
        %dma_start3A_113 = tpu.memref_slice %arg2[%dma_start3A_111, %dma_start3A_112] : memref<1000000x128xf32, #tpu.memory_space<hbm>> -> memref<1000000x128xf32, #tpu.memory_space<hbm>>
        tpu.enqueue_indirect_dma source(%dma_start3A_113 : memref<1000000x128xf32, #tpu.memory_space<hbm>>) target(%arg6 : memref<128x128xf32, #tpu.memory_space<vmem>>) offsets(%dma_start3A_110 : memref<128xi32, #tpu.memory_space<vmem>>) semaphore(%arg10 : memref<!tpu.dma_semaphore, #tpu.memory_space<semaphore_mem>>)
      } else {
      }
      %add3A_52 = arith.constant 1 : i32
      %add3A_53 = arith.addi %mul3A_37, %add3A_52 : i32
      %dma_wait3A_54 = arith.constant 0 : i32
      %dma_wait3A_55 = tpu.memref_slice %arg5[%add3A_53, %dma_wait3A_54] : memref<20x128xi32, #tpu.memory_space<vmem>> -> memref<1x128xi32, #tpu.memory_space<vmem>>
      %dma_wait3A_56 = tpu.memref_squeeze %dma_wait3A_55 : memref<1x128xi32, #tpu.memory_space<vmem>> -> memref<128xi32, #tpu.memory_space<vmem>>
      %dma_wait3A_57 = arith.constant 0 : i32
      %dma_wait3A_58 = arith.constant 0 : i32
      %dma_wait3A_59 = tpu.memref_slice %arg2[%dma_wait3A_57, %dma_wait3A_58] : memref<1000000x128xf32, #tpu.memory_space<hbm>> -> memref<1000000x128xf32, #tpu.memory_space<hbm>>
      tpu.wait_indirect_dma semaphore(%arg10 : memref<!tpu.dma_semaphore, #tpu.memory_space<semaphore_mem>>) src(%dma_wait3A_59 : memref<1000000x128xf32, #tpu.memory_space<hbm>>) dst(%arg7 : memref<128x128xf32, #tpu.memory_space<vmem>>)
      %mul3A_60 = arith.constant 128 : i32
      %mul3A_61 = arith.muli %add3A_53, %mul3A_60 : i32
      %add3A_62 = arith.addi %mul3A_2, %mul3A_61 : i32
      "tpu.region"() ({
        %run_scoped3A = tpu.sem_alloc : memref<!tpu.dma_semaphore, #tpu.memory_space<semaphore_mem>>
        %dma_start3A_106 = arith.constant 0 : i32
        %dma_start3A_107 = tpu.memref_slice %arg4[%add3A_62, %dma_start3A_106] : memref<81920x128xf32, #tpu.memory_space<hbm>> -> memref<128x128xf32, #tpu.memory_space<hbm>>
        %dma_start3A_108 = arith.constant 0 : i32
        %dma_start3A_109 = tpu.memref_slice %arg4[%add3A_62, %dma_start3A_108] : memref<81920x128xf32, #tpu.memory_space<hbm>> -> memref<128x128xf32, #tpu.memory_space<hbm>>
        tpu.enqueue_dma source(%arg7 : memref<128x128xf32, #tpu.memory_space<vmem>>) target(%dma_start3A_109 : memref<128x128xf32, #tpu.memory_space<hbm>>) target_semaphore(%run_scoped3A : memref<!tpu.dma_semaphore, #tpu.memory_space<semaphore_mem>>)
        %dma_wait3A_110 = arith.constant 0 : i32
        %dma_wait3A_111 = tpu.memref_slice %arg4[%add3A_62, %dma_wait3A_110] : memref<81920x128xf32, #tpu.memory_space<hbm>> -> memref<128x128xf32, #tpu.memory_space<hbm>>
        %dma_wait3A_112 = arith.constant 0 : i32
        %dma_wait3A_113 = tpu.memref_slice %arg4[%add3A_62, %dma_wait3A_112] : memref<81920x128xf32, #tpu.memory_space<hbm>> -> memref<128x128xf32, #tpu.memory_space<hbm>>
        tpu.wait_dma2 semaphore(%run_scoped3A : memref<!tpu.dma_semaphore, #tpu.memory_space<semaphore_mem>>) src(%arg7 : memref<128x128xf32, #tpu.memory_space<vmem>>) dst(%dma_wait3A_113 : memref<128x128xf32, #tpu.memory_space<hbm>>)
        tpu.yield
      }) : () -> ()
      %add3A_63 = arith.constant 4 : i32
      %add3A_64 = arith.addi %add3A_53, %add3A_63 : i32
      %lt3A_65 = arith.constant 20 : i32
      %lt3A_66 = arith.cmpi slt, %add3A_64, %lt3A_65 : i32
      %convert_element_type3A_67 = arith.extui %lt3A_66 : i1 to i32
      %cond3A_68 = arith.constant 0 : i32
      %cond3A_69 = arith.cmpi ne, %convert_element_type3A_67, %cond3A_68 : i32
      scf.if %cond3A_69 {
        %add3A_106 = arith.constant 4 : i32
        %add3A_107 = arith.addi %add3A_53, %add3A_106 : i32
        %dma_start3A_108 = arith.constant 0 : i32
        %dma_start3A_109 = tpu.memref_slice %arg5[%add3A_107, %dma_start3A_108] : memref<20x128xi32, #tpu.memory_space<vmem>> -> memref<1x128xi32, #tpu.memory_space<vmem>>
        %dma_start3A_110 = tpu.memref_squeeze %dma_start3A_109 : memref<1x128xi32, #tpu.memory_space<vmem>> -> memref<128xi32, #tpu.memory_space<vmem>>
        %dma_start3A_111 = arith.constant 0 : i32
        %dma_start3A_112 = arith.constant 0 : i32
        %dma_start3A_113 = tpu.memref_slice %arg2[%dma_start3A_111, %dma_start3A_112] : memref<1000000x128xf32, #tpu.memory_space<hbm>> -> memref<1000000x128xf32, #tpu.memory_space<hbm>>
        tpu.enqueue_indirect_dma source(%dma_start3A_113 : memref<1000000x128xf32, #tpu.memory_space<hbm>>) target(%arg7 : memref<128x128xf32, #tpu.memory_space<vmem>>) offsets(%dma_start3A_110 : memref<128xi32, #tpu.memory_space<vmem>>) semaphore(%arg10 : memref<!tpu.dma_semaphore, #tpu.memory_space<semaphore_mem>>)
      } else {
      }
      %add3A_70 = arith.constant 2 : i32
      %add3A_71 = arith.addi %mul3A_37, %add3A_70 : i32
      %dma_wait3A_72 = arith.constant 0 : i32
      %dma_wait3A_73 = tpu.memref_slice %arg5[%add3A_71, %dma_wait3A_72] : memref<20x128xi32, #tpu.memory_space<vmem>> -> memref<1x128xi32, #tpu.memory_space<vmem>>
      %dma_wait3A_74 = tpu.memref_squeeze %dma_wait3A_73 : memref<1x128xi32, #tpu.memory_space<vmem>> -> memref<128xi32, #tpu.memory_space<vmem>>
      %dma_wait3A_75 = arith.constant 0 : i32
      %dma_wait3A_76 = arith.constant 0 : i32
      %dma_wait3A_77 = tpu.memref_slice %arg2[%dma_wait3A_75, %dma_wait3A_76] : memref<1000000x128xf32, #tpu.memory_space<hbm>> -> memref<1000000x128xf32, #tpu.memory_space<hbm>>
      tpu.wait_indirect_dma semaphore(%arg10 : memref<!tpu.dma_semaphore, #tpu.memory_space<semaphore_mem>>) src(%dma_wait3A_77 : memref<1000000x128xf32, #tpu.memory_space<hbm>>) dst(%arg8 : memref<128x128xf32, #tpu.memory_space<vmem>>)
      %mul3A_78 = arith.constant 128 : i32
      %mul3A_79 = arith.muli %add3A_71, %mul3A_78 : i32
      %add3A_80 = arith.addi %mul3A_2, %mul3A_79 : i32
      "tpu.region"() ({
        %run_scoped3A = tpu.sem_alloc : memref<!tpu.dma_semaphore, #tpu.memory_space<semaphore_mem>>
        %dma_start3A_106 = arith.constant 0 : i32
        %dma_start3A_107 = tpu.memref_slice %arg4[%add3A_80, %dma_start3A_106] : memref<81920x128xf32, #tpu.memory_space<hbm>> -> memref<128x128xf32, #tpu.memory_space<hbm>>
        %dma_start3A_108 = arith.constant 0 : i32
        %dma_start3A_109 = tpu.memref_slice %arg4[%add3A_80, %dma_start3A_108] : memref<81920x128xf32, #tpu.memory_space<hbm>> -> memref<128x128xf32, #tpu.memory_space<hbm>>
        tpu.enqueue_dma source(%arg8 : memref<128x128xf32, #tpu.memory_space<vmem>>) target(%dma_start3A_109 : memref<128x128xf32, #tpu.memory_space<hbm>>) target_semaphore(%run_scoped3A : memref<!tpu.dma_semaphore, #tpu.memory_space<semaphore_mem>>)
        %dma_wait3A_110 = arith.constant 0 : i32
        %dma_wait3A_111 = tpu.memref_slice %arg4[%add3A_80, %dma_wait3A_110] : memref<81920x128xf32, #tpu.memory_space<hbm>> -> memref<128x128xf32, #tpu.memory_space<hbm>>
        %dma_wait3A_112 = arith.constant 0 : i32
        %dma_wait3A_113 = tpu.memref_slice %arg4[%add3A_80, %dma_wait3A_112] : memref<81920x128xf32, #tpu.memory_space<hbm>> -> memref<128x128xf32, #tpu.memory_space<hbm>>
        tpu.wait_dma2 semaphore(%run_scoped3A : memref<!tpu.dma_semaphore, #tpu.memory_space<semaphore_mem>>) src(%arg8 : memref<128x128xf32, #tpu.memory_space<vmem>>) dst(%dma_wait3A_113 : memref<128x128xf32, #tpu.memory_space<hbm>>)
        tpu.yield
      }) : () -> ()
      %add3A_81 = arith.constant 4 : i32
      %add3A_82 = arith.addi %add3A_71, %add3A_81 : i32
      %lt3A_83 = arith.constant 20 : i32
      %lt3A_84 = arith.cmpi slt, %add3A_82, %lt3A_83 : i32
      %convert_element_type3A_85 = arith.extui %lt3A_84 : i1 to i32
      %cond3A_86 = arith.constant 0 : i32
      %cond3A_87 = arith.cmpi ne, %convert_element_type3A_85, %cond3A_86 : i32
      scf.if %cond3A_87 {
        %add3A_106 = arith.constant 4 : i32
        %add3A_107 = arith.addi %add3A_71, %add3A_106 : i32
        %dma_start3A_108 = arith.constant 0 : i32
        %dma_start3A_109 = tpu.memref_slice %arg5[%add3A_107, %dma_start3A_108] : memref<20x128xi32, #tpu.memory_space<vmem>> -> memref<1x128xi32, #tpu.memory_space<vmem>>
        %dma_start3A_110 = tpu.memref_squeeze %dma_start3A_109 : memref<1x128xi32, #tpu.memory_space<vmem>> -> memref<128xi32, #tpu.memory_space<vmem>>
        %dma_start3A_111 = arith.constant 0 : i32
        %dma_start3A_112 = arith.constant 0 : i32
        %dma_start3A_113 = tpu.memref_slice %arg2[%dma_start3A_111, %dma_start3A_112] : memref<1000000x128xf32, #tpu.memory_space<hbm>> -> memref<1000000x128xf32, #tpu.memory_space<hbm>>
        tpu.enqueue_indirect_dma source(%dma_start3A_113 : memref<1000000x128xf32, #tpu.memory_space<hbm>>) target(%arg8 : memref<128x128xf32, #tpu.memory_space<vmem>>) offsets(%dma_start3A_110 : memref<128xi32, #tpu.memory_space<vmem>>) semaphore(%arg10 : memref<!tpu.dma_semaphore, #tpu.memory_space<semaphore_mem>>)
      } else {
      }
      %add3A_88 = arith.constant 3 : i32
      %add3A_89 = arith.addi %mul3A_37, %add3A_88 : i32
      %dma_wait3A_90 = arith.constant 0 : i32
      %dma_wait3A_91 = tpu.memref_slice %arg5[%add3A_89, %dma_wait3A_90] : memref<20x128xi32, #tpu.memory_space<vmem>> -> memref<1x128xi32, #tpu.memory_space<vmem>>
      %dma_wait3A_92 = tpu.memref_squeeze %dma_wait3A_91 : memref<1x128xi32, #tpu.memory_space<vmem>> -> memref<128xi32, #tpu.memory_space<vmem>>
      %dma_wait3A_93 = arith.constant 0 : i32
      %dma_wait3A_94 = arith.constant 0 : i32
      %dma_wait3A_95 = tpu.memref_slice %arg2[%dma_wait3A_93, %dma_wait3A_94] : memref<1000000x128xf32, #tpu.memory_space<hbm>> -> memref<1000000x128xf32, #tpu.memory_space<hbm>>
      tpu.wait_indirect_dma semaphore(%arg10 : memref<!tpu.dma_semaphore, #tpu.memory_space<semaphore_mem>>) src(%dma_wait3A_95 : memref<1000000x128xf32, #tpu.memory_space<hbm>>) dst(%arg9 : memref<128x128xf32, #tpu.memory_space<vmem>>)
      %mul3A_96 = arith.constant 128 : i32
      %mul3A_97 = arith.muli %add3A_89, %mul3A_96 : i32
      %add3A_98 = arith.addi %mul3A_2, %mul3A_97 : i32
      "tpu.region"() ({
        %run_scoped3A = tpu.sem_alloc : memref<!tpu.dma_semaphore, #tpu.memory_space<semaphore_mem>>
        %dma_start3A_106 = arith.constant 0 : i32
        %dma_start3A_107 = tpu.memref_slice %arg4[%add3A_98, %dma_start3A_106] : memref<81920x128xf32, #tpu.memory_space<hbm>> -> memref<128x128xf32, #tpu.memory_space<hbm>>
        %dma_start3A_108 = arith.constant 0 : i32
        %dma_start3A_109 = tpu.memref_slice %arg4[%add3A_98, %dma_start3A_108] : memref<81920x128xf32, #tpu.memory_space<hbm>> -> memref<128x128xf32, #tpu.memory_space<hbm>>
        tpu.enqueue_dma source(%arg9 : memref<128x128xf32, #tpu.memory_space<vmem>>) target(%dma_start3A_109 : memref<128x128xf32, #tpu.memory_space<hbm>>) target_semaphore(%run_scoped3A : memref<!tpu.dma_semaphore, #tpu.memory_space<semaphore_mem>>)
        %dma_wait3A_110 = arith.constant 0 : i32
        %dma_wait3A_111 = tpu.memref_slice %arg4[%add3A_98, %dma_wait3A_110] : memref<81920x128xf32, #tpu.memory_space<hbm>> -> memref<128x128xf32, #tpu.memory_space<hbm>>
        %dma_wait3A_112 = arith.constant 0 : i32
        %dma_wait3A_113 = tpu.memref_slice %arg4[%add3A_98, %dma_wait3A_112] : memref<81920x128xf32, #tpu.memory_space<hbm>> -> memref<128x128xf32, #tpu.memory_space<hbm>>
        tpu.wait_dma2 semaphore(%run_scoped3A : memref<!tpu.dma_semaphore, #tpu.memory_space<semaphore_mem>>) src(%arg9 : memref<128x128xf32, #tpu.memory_space<vmem>>) dst(%dma_wait3A_113 : memref<128x128xf32, #tpu.memory_space<hbm>>)
        tpu.yield
      }) : () -> ()
      %add3A_99 = arith.constant 4 : i32
      %add3A_100 = arith.addi %add3A_89, %add3A_99 : i32
      %lt3A_101 = arith.constant 20 : i32
      %lt3A_102 = arith.cmpi slt, %add3A_100, %lt3A_101 : i32
      %convert_element_type3A_103 = arith.extui %lt3A_102 : i1 to i32
      %cond3A_104 = arith.constant 0 : i32
      %cond3A_105 = arith.cmpi ne, %convert_element_type3A_103, %cond3A_104 : i32
      scf.if %cond3A_105 {
        %add3A_106 = arith.constant 4 : i32
        %add3A_107 = arith.addi %add3A_89, %add3A_106 : i32
        %dma_start3A_108 = arith.constant 0 : i32
        %dma_start3A_109 = tpu.memref_slice %arg5[%add3A_107, %dma_start3A_108] : memref<20x128xi32, #tpu.memory_space<vmem>> -> memref<1x128xi32, #tpu.memory_space<vmem>>
        %dma_start3A_110 = tpu.memref_squeeze %dma_start3A_109 : memref<1x128xi32, #tpu.memory_space<vmem>> -> memref<128xi32, #tpu.memory_space<vmem>>
        %dma_start3A_111 = arith.constant 0 : i32
        %dma_start3A_112 = arith.constant 0 : i32
        %dma_start3A_113 = tpu.memref_slice %arg2[%dma_start3A_111, %dma_start3A_112] : memref<1000000x128xf32, #tpu.memory_space<hbm>> -> memref<1000000x128xf32, #tpu.memory_space<hbm>>
        tpu.enqueue_indirect_dma source(%dma_start3A_113 : memref<1000000x128xf32, #tpu.memory_space<hbm>>) target(%arg9 : memref<128x128xf32, #tpu.memory_space<vmem>>) offsets(%dma_start3A_110 : memref<128xi32, #tpu.memory_space<vmem>>) semaphore(%arg10 : memref<!tpu.dma_semaphore, #tpu.memory_space<semaphore_mem>>)
      } else {
      }
    }
    %scan3A_34 = arith.constant 5 : i32
    return
  }
}

module attributes {stable_mosaic.version = 14 : i64} {
  func.func @_mlp_body(%arg0: i32, %arg1: memref<2048x128xf32, #tpu.memory_space<vmem>>, %arg2: memref<2048x128xf32, #tpu.memory_space<vmem>>, %arg3: memref<2048x128xf32, #tpu.memory_space<vmem>>, %arg4: memref<2048x128xf32, #tpu.memory_space<vmem>>, %arg5: memref<2048x128xf32, #tpu.memory_space<vmem>>, %arg6: memref<640x128xf32, #tpu.memory_space<vmem>>, %arg7: memref<1x128xf32, #tpu.memory_space<vmem>>, %arg8: memref<128x50xf32, #tpu.memory_space<vmem>>, %arg9: memref<1x50xf32, #tpu.memory_space<vmem>>, %arg10: memref<2048x50xf32, #tpu.memory_space<vmem>>) attributes {dimension_semantics = [#tpu.dimension_semantics<arbitrary>], iteration_bounds = array<i64: 8>, scalar_prefetch = 0 : i64, scratch_operands = 0 : i64, tpu.core_type = #tpu.core_type<tc>, window_params = [{transform_indices = @transform_0, window_bounds = array<i64: 2048, 128>}, {transform_indices = @transform_1, window_bounds = array<i64: 2048, 128>}, {transform_indices = @transform_2, window_bounds = array<i64: 2048, 128>}, {transform_indices = @transform_3, window_bounds = array<i64: 2048, 128>}, {transform_indices = @transform_4, window_bounds = array<i64: 2048, 128>}, {pipeline_mode = #tpu.pipeline_mode<synchronous>, transform_indices = @transform_5, window_bounds = array<i64: 640, 128>}, {pipeline_mode = #tpu.pipeline_mode<synchronous>, transform_indices = @transform_6, window_bounds = array<i64: 1, 128>}, {pipeline_mode = #tpu.pipeline_mode<synchronous>, transform_indices = @transform_7, window_bounds = array<i64: 128, 50>}, {pipeline_mode = #tpu.pipeline_mode<synchronous>, transform_indices = @transform_8, window_bounds = array<i64: 1, 50>}, {transform_indices = @transform_9, window_bounds = array<i64: 2048, 50>}]} {
    %get3A = arith.constant 0 : index
    %get3A_0 = arith.constant 0 : index
    %get3A_1 = vector.load %arg6[%get3A, %get3A_0] : memref<640x128xf32, #tpu.memory_space<vmem>>, vector<640x128xf32>
    %convert_element_type3A = arith.truncf %get3A_1 : vector<640x128xf32> to vector<640x128xbf16>
    %get3A_2 = arith.constant 0 : index
    %get3A_3 = arith.constant 0 : index
    %get3A_4 = vector.load %arg7[%get3A_2, %get3A_3] : memref<1x128xf32, #tpu.memory_space<vmem>>, vector<1x128xf32>
    %get3A_5 = arith.constant 0 : index
    %get3A_6 = arith.constant 0 : index
    %get3A_7 = vector.load %arg1[%get3A_5, %get3A_6] : memref<2048x128xf32, #tpu.memory_space<vmem>>, vector<2048x128xf32>
    %convert_element_type3A_8 = arith.truncf %get3A_7 : vector<2048x128xf32> to vector<2048x128xbf16>
    %slice3A = vector.extract_strided_slice %convert_element_type3A {offsets = [0, 0], sizes = [128, 128], strides = [1, 1]} : vector<640x128xbf16> to vector<128x128xbf16>
    %dot_general3A = arith.constant dense<0.000000e+00> : vector<2048x128xf32>
    %dot_general3A_9 = tpu.matmul %convert_element_type3A_8, %slice3A, %dot_general3A {dimension_numbers = #tpu.dot_dimension_numbers<[1], [0], [0], [1], [0, 0, 1, 1], [], []>, transpose_lhs_hint = false} : vector<2048x128xbf16>, vector<128x128xbf16>, vector<2048x128xf32> -> vector<2048x128xf32>
    %add3A = vector.broadcast %get3A_4 : vector<1x128xf32> to vector<2048x128xf32>
    %add3A_10 = arith.addf %add3A, %dot_general3A_9 : vector<2048x128xf32>
    %get3A_11 = arith.constant 0 : index
    %get3A_12 = arith.constant 0 : index
    %get3A_13 = vector.load %arg2[%get3A_11, %get3A_12] : memref<2048x128xf32, #tpu.memory_space<vmem>>, vector<2048x128xf32>
    %convert_element_type3A_14 = arith.truncf %get3A_13 : vector<2048x128xf32> to vector<2048x128xbf16>
    %slice3A_15 = vector.extract_strided_slice %convert_element_type3A {offsets = [128, 0], sizes = [128, 128], strides = [1, 1]} : vector<640x128xbf16> to vector<128x128xbf16>
    %dot_general3A_16 = arith.constant dense<0.000000e+00> : vector<2048x128xf32>
    %dot_general3A_17 = tpu.matmul %convert_element_type3A_14, %slice3A_15, %dot_general3A_16 {dimension_numbers = #tpu.dot_dimension_numbers<[1], [0], [0], [1], [0, 0, 1, 1], [], []>, transpose_lhs_hint = false} : vector<2048x128xbf16>, vector<128x128xbf16>, vector<2048x128xf32> -> vector<2048x128xf32>
    %add3A_18 = arith.addf %add3A_10, %dot_general3A_17 : vector<2048x128xf32>
    %get3A_19 = arith.constant 0 : index
    %get3A_20 = arith.constant 0 : index
    %get3A_21 = vector.load %arg3[%get3A_19, %get3A_20] : memref<2048x128xf32, #tpu.memory_space<vmem>>, vector<2048x128xf32>
    %convert_element_type3A_22 = arith.truncf %get3A_21 : vector<2048x128xf32> to vector<2048x128xbf16>
    %slice3A_23 = vector.extract_strided_slice %convert_element_type3A {offsets = [256, 0], sizes = [128, 128], strides = [1, 1]} : vector<640x128xbf16> to vector<128x128xbf16>
    %dot_general3A_24 = arith.constant dense<0.000000e+00> : vector<2048x128xf32>
    %dot_general3A_25 = tpu.matmul %convert_element_type3A_22, %slice3A_23, %dot_general3A_24 {dimension_numbers = #tpu.dot_dimension_numbers<[1], [0], [0], [1], [0, 0, 1, 1], [], []>, transpose_lhs_hint = false} : vector<2048x128xbf16>, vector<128x128xbf16>, vector<2048x128xf32> -> vector<2048x128xf32>
    %add3A_26 = arith.addf %add3A_18, %dot_general3A_25 : vector<2048x128xf32>
    %get3A_27 = arith.constant 0 : index
    %get3A_28 = arith.constant 0 : index
    %get3A_29 = vector.load %arg4[%get3A_27, %get3A_28] : memref<2048x128xf32, #tpu.memory_space<vmem>>, vector<2048x128xf32>
    %convert_element_type3A_30 = arith.truncf %get3A_29 : vector<2048x128xf32> to vector<2048x128xbf16>
    %slice3A_31 = vector.extract_strided_slice %convert_element_type3A {offsets = [384, 0], sizes = [128, 128], strides = [1, 1]} : vector<640x128xbf16> to vector<128x128xbf16>
    %dot_general3A_32 = arith.constant dense<0.000000e+00> : vector<2048x128xf32>
    %dot_general3A_33 = tpu.matmul %convert_element_type3A_30, %slice3A_31, %dot_general3A_32 {dimension_numbers = #tpu.dot_dimension_numbers<[1], [0], [0], [1], [0, 0, 1, 1], [], []>, transpose_lhs_hint = false} : vector<2048x128xbf16>, vector<128x128xbf16>, vector<2048x128xf32> -> vector<2048x128xf32>
    %add3A_34 = arith.addf %add3A_26, %dot_general3A_33 : vector<2048x128xf32>
    %get3A_35 = arith.constant 0 : index
    %get3A_36 = arith.constant 0 : index
    %get3A_37 = vector.load %arg5[%get3A_35, %get3A_36] : memref<2048x128xf32, #tpu.memory_space<vmem>>, vector<2048x128xf32>
    %convert_element_type3A_38 = arith.truncf %get3A_37 : vector<2048x128xf32> to vector<2048x128xbf16>
    %slice3A_39 = vector.extract_strided_slice %convert_element_type3A {offsets = [512, 0], sizes = [128, 128], strides = [1, 1]} : vector<640x128xbf16> to vector<128x128xbf16>
    %dot_general3A_40 = arith.constant dense<0.000000e+00> : vector<2048x128xf32>
    %dot_general3A_41 = tpu.matmul %convert_element_type3A_38, %slice3A_39, %dot_general3A_40 {dimension_numbers = #tpu.dot_dimension_numbers<[1], [0], [0], [1], [0, 0, 1, 1], [], []>, transpose_lhs_hint = false} : vector<2048x128xbf16>, vector<128x128xbf16>, vector<2048x128xf32> -> vector<2048x128xf32>
    %add3A_42 = arith.addf %add3A_34, %dot_general3A_41 : vector<2048x128xf32>
    %tanh3A = math.tanh %add3A_42 : vector<2048x128xf32>
    %get3A_43 = arith.constant 0 : index
    %get3A_44 = arith.constant 0 : index
    %get3A_45 = vector.load %arg8[%get3A_43, %get3A_44] : memref<128x50xf32, #tpu.memory_space<vmem>>, vector<128x50xf32>
    %convert_element_type3A_46 = arith.truncf %get3A_45 : vector<128x50xf32> to vector<128x50xbf16>
    %convert_element_type3A_47 = arith.truncf %tanh3A : vector<2048x128xf32> to vector<2048x128xbf16>
    %dot_general3A_48 = arith.constant dense<0.000000e+00> : vector<2048x50xf32>
    %dot_general3A_49 = tpu.matmul %convert_element_type3A_47, %convert_element_type3A_46, %dot_general3A_48 {dimension_numbers = #tpu.dot_dimension_numbers<[1], [0], [0], [1], [0, 0, 1, 1], [], []>, transpose_lhs_hint = false} : vector<2048x128xbf16>, vector<128x50xbf16>, vector<2048x50xf32> -> vector<2048x50xf32>
    %get3A_50 = arith.constant 0 : index
    %get3A_51 = arith.constant 0 : index
    %get3A_52 = vector.load %arg9[%get3A_50, %get3A_51] : memref<1x50xf32, #tpu.memory_space<vmem>>, vector<1x50xf32>
    %add3A_53 = vector.broadcast %get3A_52 : vector<1x50xf32> to vector<2048x50xf32>
    %add3A_54 = arith.addf %dot_general3A_49, %add3A_53 : vector<2048x50xf32>
    %swap3A = arith.constant 0 : index
    %swap3A_55 = arith.constant 0 : index
    %swap3A_56 = vector.load %arg10[%swap3A, %swap3A_55] : memref<2048x50xf32, #tpu.memory_space<vmem>>, vector<2048x50xf32>
    tpu.vector_store %arg10[%swap3A, %swap3A_55], %add3A_54 {strides = array<i32>} : memref<2048x50xf32, #tpu.memory_space<vmem>>, vector<2048x50xf32>,
    return
  }
  func.func @transform_0(%arg0: i32) -> (i32, i32) {
    %add3A = arith.constant 0 : i32
    %add3A_0 = arith.addi %arg0, %add3A : i32
    %c0_i32 = arith.constant 0 : i32
    %c0_i32_1 = arith.constant 0 : i32
    return %add3A_0, %c0_i32 : i32, i32
  }
  func.func @transform_1(%arg0: i32) -> (i32, i32) {
    %add3A = arith.constant 8 : i32
    %add3A_0 = arith.addi %arg0, %add3A : i32
    %c0_i32 = arith.constant 0 : i32
    %c0_i32_1 = arith.constant 0 : i32
    return %add3A_0, %c0_i32 : i32, i32
  }
  func.func @transform_2(%arg0: i32) -> (i32, i32) {
    %add3A = arith.constant 16 : i32
    %add3A_0 = arith.addi %arg0, %add3A : i32
    %c0_i32 = arith.constant 0 : i32
    %c0_i32_1 = arith.constant 0 : i32
    return %add3A_0, %c0_i32 : i32, i32
  }
  func.func @transform_3(%arg0: i32) -> (i32, i32) {
    %add3A = arith.constant 24 : i32
    %add3A_0 = arith.addi %arg0, %add3A : i32
    %c0_i32 = arith.constant 0 : i32
    %c0_i32_1 = arith.constant 0 : i32
    return %add3A_0, %c0_i32 : i32, i32
  }
  func.func @transform_4(%arg0: i32) -> (i32, i32) {
    %add3A = arith.constant 32 : i32
    %add3A_0 = arith.addi %arg0, %add3A : i32
    %c0_i32 = arith.constant 0 : i32
    %c0_i32_1 = arith.constant 0 : i32
    return %add3A_0, %c0_i32 : i32, i32
  }
  func.func @transform_5(%arg0: i32) -> (i32, i32) {
    %c0_i32 = arith.constant 0 : i32
    %c0_i32_0 = arith.constant 0 : i32
    %c0_i32_1 = arith.constant 0 : i32
    return %c0_i32, %c0_i32_0 : i32, i32
  }
  func.func @transform_6(%arg0: i32) -> (i32, i32) {
    %c0_i32 = arith.constant 0 : i32
    %c0_i32_0 = arith.constant 0 : i32
    %c0_i32_1 = arith.constant 0 : i32
    return %c0_i32, %c0_i32_0 : i32, i32
  }
  func.func @transform_7(%arg0: i32) -> (i32, i32) {
    %c0_i32 = arith.constant 0 : i32
    %c0_i32_0 = arith.constant 0 : i32
    %c0_i32_1 = arith.constant 0 : i32
    return %c0_i32, %c0_i32_0 : i32, i32
  }
  func.func @transform_8(%arg0: i32) -> (i32, i32) {
    %c0_i32 = arith.constant 0 : i32
    %c0_i32_0 = arith.constant 0 : i32
    %c0_i32_1 = arith.constant 0 : i32
    return %c0_i32, %c0_i32_0 : i32, i32
  }
  func.func @transform_9(%arg0: i32) -> (i32, i32) {
    %c0_i32 = arith.constant 0 : i32
    %c0_i32_0 = arith.constant 0 : i32
    return %arg0, %c0_i32 : i32, i32
  }
}

</mosaic_0001>

<sc_bundles>
// kernel: kernel.4.cloned.1.call-start
scs
__scs_entry_jumppad:
0x0: {  	(pc) =	sbr.rel $0x88, $3  }
0x1: {  	(tag) =	ssettag $0x0;
	lr =	simm.s32 $0x1  }
0x2: {  	[smem:$0x3F9B] =	sst lr;
	_ =	strace $0xD0000000  }
0x3: {  	_ = 	snop  }
0x4: {  	_ = 	snop  }
0x5: {  	_ = 	snop  }
0x6: {  	_ = 	snop  }
0x7: {  	_ = 	snop  }
__scs_overlays_trampoline_lowered:
0x8: {  	[smem:$0x3FAA] =	sst s0  }
0x9: {  	[smem:$0x3FAB] =	sst s1  }
0xa: {  	[smem:$0x3FAC] =	sst s2  }
0xb: {  	[smem:$0x3FAD] =	sst s3  }
0xc: {  	[smem:$0x3FAE] =	sst s4  }
0xd: {  	[smem:$0x3FAF] =	sst s5  }
0xe: {  	[smem:$0x3FB0] =	sst s6  }
0xf: {  	[smem:$0x3FB1] =	sst s7  }
0x10: {  	[smem:$0x3FB2] =	sst s8  }
0x11: {  	[smem:$0x3FB3] =	sst s9;
	s0 =	simm.s32 @!p0 $0x0  }
0x12: {  	s1 =	sld [smem:$0x3F99];
	s0 =	simm.s32 @p0 $0x1  }
0x13: {  	[smem:$0x3FB4] =	sst s0;
	s0 =	simm.s32 @!p1 $0x0  }
0x14: {  	s2 =	sld [smem:$0x3F98];
	s0 =	simm.s32 @p1 $0x1  }
0x15: {  	[smem:$0x3FB5] =	sst s0;
	s0 =	simm.s32 @!p2 $0x0  }
0x16: {  	s3 =	sld [smem:$0x3FDB];
	s0 =	simm.s32 @p2 $0x1  }
0x17: {  	s4 =	simm.s32 $0x1BF5;
	[smem:$0x3FB7] =	sst s0  }
0x18: {  	s0 =	sld [smem:$0x3F9A];
	_ =	swait.ge [sflag:s4], $0x0  }
0x19: {  	s7 =	sld [smem:$0x3F9B]  }
0x1a: {  	s8 =	sadd.s32 $0xFFFFE003, lr  }
0x1b: {  	s9 =	sadd.s32 $0xFFFFFEF7, lr;
	s5 =	simm.s32 $0xFFFFFFFF;
	p2 =	slt.u32 s8, $0xFFFFF086  }
0x1c: {  	p1 =	slt.u32 s9, $0xF7A;
	s5 =	simm.s32 @!p2 $0x0  }
0x1d: {  	s5 =	simm.s32 @p1 $0x1;
	p0 =	seq.s32 s7, s2  }
0x1e: {  	s7 =	smul.u32 @!p0 $0xF7A, s2;
	p2 =	seq.s32 @!p0 s5, $0x0  }
0x1f: {  	s9 =	smul.u32 $0xF7A, s1;
	s8 =	simm.s32 @!p0 $0x1BF5;
	p2 =	por !p2, p0  }
0x20: {  	[sflag:s8] =	ssyncset.s32 @!p0 $0xFFFFF086;
	s6 =	sadd.s32 @!p0 s3, s7;
	s7 =	simm.s32 @!p0 $0x108  }
0x21: {  	s3 =	sadd.s32 s3, s9;
	s6 =	sadd.s32 @!p0 $0x88, s6;
	s7 =	simm.s32 @p2 $0x1082  }
0x22: {  	[simem:s7], [sflag:s8] =	dma.local @!p0 [hbm:s6], $0xF7A  }
0x23: {  	s9 =	sor.u32 $0xD0000000, s2;
	s6 =	simm.s32 $0x108;
	_ =	swait.ge @!p0 [sflag:s8], $0x0  }
0x24: {  	s3 =	sadd.s32 $0x88, s3;
	s6 =	simm.s32 @!p1 $0x1082;
	[sflag:s4] =	ssyncset.s32 $0xFFFFF086  }
0x25: {  	[simem:s6], [sflag:s4] =	dma.local [hbm:s3], $0xF7A  }
0x26: {  	[smem:$0x3F9B] =	sst s1;
	(tag) =	ssettag s2;
	_ =	strace s9  }
0x27: {  	s1 =	sld [smem:$0x3FAB]  }
0x28: {  	s2 =	sld [smem:$0x3FAC]  }
0x29: {  	s4 =	sld [smem:$0x3FAE]  }
0x2a: {  	p0 =	seq.s32 s5, $0x0;
	s5 =	sld [smem:$0x3FAF]  }
0x2b: {  	s6 =	sld [smem:$0x3FB0]  }
0x2c: {  	s7 =	sld [smem:$0x3FB1]  }
0x2d: {  	s3 =	simm.s32 $0x108;
	s8 =	sld [smem:$0x3FB2]  }
0x2e: {  	s3 =	simm.s32 @!p0 $0x1082;
	s9 =	sld [smem:$0x3FB3]  }
0x2f: {  	lr =	sadd.s32 s0, s3;
	s0 =	sld [smem:$0x3FAA]  }
0x30: {  	s3 =	sld [smem:$0x3FAD]  }
0x31: {  	[smem:$0x3FB6] =	sst s10  }
0x32: {  	s10 =	sld [smem:$0x3FB4];
	_ =	sdelay $0x3  }
0x33: {  	p0 =	seq.s32 s10, $0x1;
	s10 =	sld [smem:$0x3FB6];
	_ =	sdelay $0x3  }
0x34: {  	[smem:$0x3FB6] =	sst s10  }
0x35: {  	s10 =	sld [smem:$0x3FB5];
	_ =	sdelay $0x3  }
0x36: {  	p1 =	seq.s32 s10, $0x1;
	s10 =	sld [smem:$0x3FB6];
	_ =	sdelay $0x3  }
0x37: {  	[smem:$0x3FB6] =	sst s10  }
0x38: {  	s10 =	sld [smem:$0x3FB7]  }
0x39: {  	_ = 	snop;
	(pc) =	sbr.ind lr, $3  }
0x3a: {  	_ = 	snop  }
0x3b: {  	_ = 	snop  }
0x3c: {  	p2 =	seq.s32 s10, $0x1;
	s10 =	sld [smem:$0x3FB6]  }
0x3d: {  	_ =	shalt  }
0x3e: {  	_ =	shalt  }
0x3f: {  	_ =	shalt  }
0x40: {  	_ =	shalt  }
0x41: {  	_ =	shalt  }
0x42: {  	_ =	shalt  }
0x43: {  	_ =	shalt  }
0x44: {  	_ =	shalt  }
0x45: {  	_ =	shalt  }
0x46: {  	_ =	shalt  }
0x47: {  	_ =	shalt  }
0x48: {  	_ =	shalt  }
0x49: {  	_ =	shalt  }
0x4a: {  	_ =	shalt  }
0x4b: {  	_ =	shalt  }
0x4c: {  	_ =	shalt  }
0x4d: {  	_ =	shalt  }
0x4e: {  	_ =	shalt  }
0x4f: {  	_ =	shalt  }
0x50: {  	_ =	shalt  }
0x51: {  	_ =	shalt  }
0x52: {  	_ =	shalt  }
0x53: {  	_ =	shalt  }
0x54: {  	_ =	shalt  }
0x55: {  	_ =	shalt  }
0x56: {  	_ =	shalt  }
0x57: {  	_ =	shalt  }
0x58: {  	_ =	shalt  }
0x59: {  	_ =	shalt  }
0x5a: {  	_ =	shalt  }
0x5b: {  	_ =	shalt  }
0x5c: {  	_ =	shalt  }
0x5d: {  	_ =	shalt  }
0x5e: {  	_ =	shalt  }
0x5f: {  	_ =	shalt  }
0x60: {  	_ =	shalt  }
0x61: {  	_ =	shalt  }
0x62: {  	_ =	shalt  }
0x63: {  	_ =	shalt  }
0x64: {  	_ =	shalt  }
0x65: {  	_ =	shalt  }
0x66: {  	_ =	shalt  }
0x67: {  	_ =	shalt  }
0x68: {  	_ =	shalt  }
0x69: {  	_ =	shalt  }
0x6a: {  	_ =	shalt  }
0x6b: {  	_ =	shalt  }
0x6c: {  	_ =	shalt  }
0x6d: {  	_ =	shalt  }
0x6e: {  	_ =	shalt  }
0x6f: {  	_ =	shalt  }
0x70: {  	_ =	shalt  }
0x71: {  	_ =	shalt  }
0x72: {  	_ =	shalt  }
0x73: {  	_ =	shalt  }
0x74: {  	_ =	shalt  }
0x75: {  	_ =	shalt  }
0x76: {  	_ =	shalt  }
0x77: {  	_ =	shalt  }
0x78: {  	_ =	shalt  }
0x79: {  	_ =	shalt  }
0x7a: {  	_ =	shalt  }
0x7b: {  	_ =	shalt  }
0x7c: {  	_ =	shalt  }
0x7d: {  	_ =	shalt  }
0x7e: {  	_ =	shalt  }
0x7f: {  	_ =	shalt  }
0x80: {  	_ =	shalt  }
0x81: {  	_ =	shalt  }
0x82: {  	_ =	shalt  }
0x83: {  	_ =	shalt  }
0x84: {  	_ =	shalt  }
0x85: {  	_ =	shalt  }
0x86: {  	_ =	shalt  }
0x87: {  	_ =	shalt  }
.Lfunc_end0:
.L_simem_size_0:
called_computation_lowered:
.L_overlay_start_0:
0x88: {  	s2 =	sld [smem:$0x3FD9]  }
0x89: {  	s3 =	sld [smem:$0x3FFE];
	_ =	sdelay $0x1  }
0x8a: {  	s1 =	srdreg.scid  }
0x8b: {  	s0 =	sand.u32 $0x1, s1  }
0x8c: {  	s17 =	sshll.u32 s0, $0xA;
	s2 =	sadd.s32 s3, s2  }
0x8d: {  	s2 =	sadd.s32 s2, s17  }
0x8e: {  	[smem:$0x3FC2] =	sst s2  }
0x8f: {  	_ = 	snop  }
0x90: {  	s2 =	sld [smem:$0x3FD0];
	(tm) =	ssettm $0x1  }
0x91: {  	s18 =	sld [smem:$0x3FFB];
	_ =	sdelay $0x3  }
0x92: {  	_ =	strace s18  }
0x93: {  	s3 =	sld [smem:$0x3FFC];
	_ =	sdelay $0x3  }
0x94: {  	_ =	strace s3  }
0x95: {  	s3 =	sld [smem:$0x3FFD];
	_ =	sdelay $0x3  }
0x96: {  	_ =	strace s3  }
0x97: {  	_ =	strace $0x8FFFFFFF  }
0x98: {  	s19 =	sld [smem:$0x3FDB];
	_ =	sdelay $0x1  }
0x99: {  	s4 =	simm.s32 $_scs_section_size  }
0x9a: {  	s5 =	simm.s32 $_size__tile_overlayer_lowered;
	s6 =	simm.s32 $_tile_overlayer_lowered  }
0x9b: {  	s22 =	simm.s32 $0x1BFF;
	s21 =	sshll.u32 s6, $0x1;
	s3 =	sadd.s32 s4, s19  }
0x9c: {  	s7 =	simm.s32 $0x0;
	s20 =	sshll.u32 s5, $0x1;
	s5 =	sadd.s32 s21, s3  }
0x9d: {  	[timem:s7], [sflag:s22] =	dma.local [hbm:s5], s20  }
0x9e: {  	_ =	swait.ge [sflag:s22], s20  }
0x9f: {  	s4 =	ssub.s32 $0x0, s20;
	[sflag:s22] =	ssyncset.done $0x0  }
0xa0: {  	[sflag:s22] =	ssyncadd.s32 s4;
	_ =	sdelay $0x1  }
0xa1: {  	s23 =	simm.s32 $0x1B8B  }
0xa2: {  	_ =	swait.ge [sflag:s23], $0x1  }
0xa3: {  	[sflag:s23] =	ssyncset.done $0x0  }
0xa4: {  	s25 =	simm.s32 $0x1B8E;
	s24 =	sld [smem:$0x3FFE];
	[sflag:s23] =	ssyncadd.s32 $0xFFFFFFFF  }
0xa5: {  	s26 =	simm.s32 $execute0_lowered;
	[smem:$0x3FD2] =	sst s25  }
0xa6: {  	s5 =	sshll.u32 s26, $0x1;
	_ =	strace $0x80000046;
	[dreg:$0x1] =	wrdreg $0xFFFFFFFF  }
0xa7: {  	s28 =	simm.s32 $_size_execute0_lowered;
	s3 =	sadd.s32 s3, s5;
	[dreg:$0x0] =	wrdreg $0x0  }
0xa8: {  	s5 =	sshll.u32 s28, $0x1;
	[dreg:$0x2] =	wrdreg s3  }
0xa9: {  	[dreg:$0x3] =	wrdreg s5  }
0xaa: {  	[dreg:$0x4] =	wrdreg $0xC0  }
0xab: {  	_ =	task [dreg:s7], $0x5FFFF  }
0xac: {  	[dreg:$0x1] =	wrdreg $0xFFFFFFFF  }
0xad: {  	[dreg:$0x0] =	wrdreg $0x60  }
0xae: {  	[dreg:$0x2] =	wrdreg s24  }
0xaf: {  	[dreg:$0x3] =	wrdreg s2  }
0xb0: {  	[dreg:$0x4] =	wrdreg $0x9  }
0xb1: {  	_ =	task.clear_ibuf [dreg:s7], $0x5FFFF;
	_ =	strace $0x90000046  }
0xb2: {  	s29 =	simm.s32 $0x9;
	_ =	strace $0x80000048  }
0xb3: {  	_ =	swait.ge [sflag:s29], $0x1  }
0xb4: {  	[sflag:s29] =	ssyncadd.s32 $0xFFFFFFFF  }
0xb5: {  	_ =	strace $0x90000048  }
0xb6: {  	_ =	sfence  }
0xb7: {  	s30 =	sld [smem:$0x0];
	_ =	sdelay $0x2  }
0xb8: {  	s31 =	sshll.u32 s1, $0xD;
	s1 =	sshrl.u32 s1, $0x2  }
0xb9: {  	s3 =	sand.u32 $0x4000, s31;
	s1 =	sadd.s32 s1, s30  }
0xba: {  	s0 =	sor.u32 s3, s0;
	s1 =	sshll.u32 s1, $0x11  }
0xbb: {  	s0 =	sor.u32 s1, s0  }
0xbc: {  	s0 =	sadd.s32 $0x8F2B, s0  }
0xbd: {  	[sflag:s0] =	ssyncadd.remote.s32 $0x1  }
0xbe: {  	_ =	sfence.sel $0xFFFF  }
0xbf: {  	[dreg:$0x0] =	wrdreg $0xFFFFFFFF;
	(pc) =	sbr.abs _section_cstart, $3  }
0xc0: {  	[dreg:$0x1] =	wrdreg $0xFFFFFFFF  }
0xc1: {  	_ =	task.clear_ibuf [dreg:s7], $0x2FFFF;
	_ =	strace $0x9FFFFFFF  }
0xc2: {  	(tm) =	ssettm $0x7FFFFFFF  }
0xc3: {  	_ =	shalt  }
tec
execute0_lowered:
.L_overlay_start_1:
0x0: {  	(tag) =	ssettag $0x1  }
0x1: {  	s4 =	rddreg [dreg:$0x0];
	s1 =	srdreg.scid  }
0x2: {  	s0 =	stileid.u32;
	s5 =	rddreg [dreg:$0x1]  }
0x3: {  	s2 =	simm.s32 $0x0;
	s14 =	simm.s32 $0x2;
	s15 =	simm.s32 $0x80  }
0x4: {  	s16 =	simm.s32 $0xA00;
	s17 =	simm.s32 $0x4A00;
	s18 =	simm.s32 $0x100  }
0x5: {  	s19 =	simm.s32 $0x8A00;
	s20 =	simm.s32 $0x180;
	s21 =	simm.s32 $0xCA00  }
0x6: {  	s22 =	simm.s32 $0x1;
	s23 =	simm.s32 $0x0;
	s12 =	smul.u32 $0xA0000, s0  }
0x7: {  	s6 =	sand.u32 $0x1, s1;
	s3 =	sshll.u32 s0, $0x1;
	s26 =	smul.u32 $0x1400, s0  }
0x8: {  	s1 =	rddreg [dreg:$0x2];
	s7 =	sor.u32 s6, s3;
	s13 =	smul.u32 $0xA00, s6  }
0x9: {  	[smem:$0x7FF] =	sst s2;
	s11 =	sadd.s32 $0xE00, s4;
	s8 =	smul.u32 $0xA00, s7  }
0xa: {  	_ =	strace $0x80000047;
	s10 =	ssub.s32 $0x2, s6;
	s9 =	smul.u32 $0x50000, s7  }
0xb: {  	s3 =	sadd.s32 $0xF43200, s4;
	s7 =	smul.u32 $0xA000, s7;
	s24 =	sshrl.u32 s10, $0x1  }
0xc: {  	s28 =	smul.u32 $0x50000, s6;
	s10 =	ssub.s32 s10, s24;
	s25 =	sshrl.u32 s8, $0x3  }
0xd: {  	s9 =	sshrl.u32 s9, $0x3;
	s29 =	sadd.s32 s11, s7;
	s8 =	sadd.s32 s13, s26  }
0xe: {  	s4 =	sadd.s32 s5, s25;
	s5 =	smax.u32 s10, $0x1;
	s9 =	sadd.s32 s11, s9  }
0xf: {  	s7 =	sadd.s32 $0x8800, s29;
	s10 =	sadd.s32 s28, s12;
	s30 =	sshll.u32 s8, $0x4  }
0x10: {  	s8 =	sadd.s32 $0x9000, s29;
	s6 =	sadd.s32 $0x8000, s9;
	s10 =	sshrl.u32 s10, $0x3  }
0x11: {  	s31 =	sadd.s32 s30, s11;
	s9 =	sadd.s32 $0x9800, s29;
	s10 =	sadd.s32 s10, s11  }
0x12: {  	s11 =	sadd.s32 $0x1800, s31;
	s12 =	sadd.s32 $0x1000, s31;
	s13 =	sadd.s32 $0x800, s31  }
.LBB2_1:
0x13: {  	[tilespmem:s2], [sflag:$0x2] =	stream.linear.gather [hbm4b:s4+s2], $0xA00, $0x38;
	[tilespmem:$0x10A00] =	vst v63  }
0x14: {  	_ =	swait.ge [sflag:s14], $0xA00  }
0x15: {  	[sflag:s14] =	ssyncset.done $0x0  }
0x16: {  	[sflag:s14] =	ssyncadd.s32 $0xFFFFF600  }
0x17: {  	[tilespmem:s16], [sflag:$0x1] =	stream.indirect.gather [hbm4b:s3+s15], $0x80, s2, s15, $0xb8;
	[tilespmem:$0x10A00] =	vst v63  }
0x18: {  	_ = 	snop  }
0x19: {  	[tilespmem:s17], [sflag:$0x1] =	stream.indirect.gather [hbm4b:s3+s15], $0x80, s15, s15, $0xb8;
	[tilespmem:$0x10A00] =	vst v63  }
0x1a: {  	_ = 	snop  }
0x1b: {  	[tilespmem:s19], [sflag:$0x1] =	stream.indirect.gather [hbm4b:s3+s15], $0x80, s18, s15, $0xb8;
	[tilespmem:$0x10A00] =	vst v63  }
0x1c: {  	_ = 	snop  }
0x1d: {  	[tilespmem:s21], [sflag:$0x1] =	stream.indirect.gather [hbm4b:s3+s15], $0x80, s20, s15, $0xb8;
	[tilespmem:$0x10A00] =	vst v63  }
0x1e: {  	_ =	swait.ge [sflag:s22], $0x4000  }
0x1f: {  	[sflag:s22] =	ssyncset.done $0x0  }
0x20: {  	s24 =	sadd.s32 $0x0, s10;
	[sflag:s22] =	ssyncadd.s32 $0xFFFFC000  }
0x21: {  	[hbm4b:s24+s2] =	stream.linear.scatter [tilespmem:s16], [sflag:$0x2], $0x4000, $0x38;
	[tilespmem:$0x10A00] =	vst v63  }
0x22: {  	_ =	swait.ge [sflag:s14], $0x4000  }
0x23: {  	[sflag:s14] =	ssyncset.done $0x0  }
0x24: {  	s25 =	simm.s32 $0x200;
	[sflag:s14] =	ssyncadd.s32 $0xFFFFC000  }
0x25: {  	[tilespmem:s16], [sflag:$0x1] =	stream.indirect.gather [hbm4b:s3+s15], $0x80, s25, s15, $0xb8;
	[tilespmem:$0x10A00] =	vst v63  }
0x26: {  	_ =	swait.ge [sflag:s22], $0x4000  }
0x27: {  	[sflag:s22] =	ssyncset.done $0x0  }
0x28: {  	s26 =	sadd.s32 $0x0, s13;
	[sflag:s22] =	ssyncadd.s32 $0xFFFFC000  }
0x29: {  	[hbm4b:s26+s2] =	stream.linear.scatter [tilespmem:s17], [sflag:$0x2], $0x4000, $0x38;
	[tilespmem:$0x10A00] =	vst v63  }
0x2a: {  	_ =	swait.ge [sflag:s14], $0x4000  }
0x2b: {  	[sflag:s14] =	ssyncset.done $0x0  }
0x2c: {  	s28 =	simm.s32 $0x280;
	[sflag:s14] =	ssyncadd.s32 $0xFFFFC000  }
0x2d: {  	[tilespmem:s17], [sflag:$0x1] =	stream.indirect.gather [hbm4b:s3+s15], $0x80, s28, s15, $0xb8;
	[tilespmem:$0x10A00] =	vst v63  }
0x2e: {  	_ =	swait.ge [sflag:s22], $0x4000  }
0x2f: {  	[sflag:s22] =	ssyncset.done $0x0  }
0x30: {  	s29 =	sadd.s32 $0x0, s12;
	[sflag:s22] =	ssyncadd.s32 $0xFFFFC000  }
0x31: {  	[hbm4b:s29+s2] =	stream.linear.scatter [tilespmem:s19], [sflag:$0x2], $0x4000, $0x38;
	[tilespmem:$0x10A00] =	vst v63  }
0x32: {  	_ =	swait.ge [sflag:s14], $0x4000  }
0x33: {  	[sflag:s14] =	ssyncset.done $0x0  }
0x34: {  	s30 =	simm.s32 $0x300;
	[sflag:s14] =	ssyncadd.s32 $0xFFFFC000  }
0x35: {  	[tilespmem:s19], [sflag:$0x1] =	stream.indirect.gather [hbm4b:s3+s15], $0x80, s30, s15, $0xb8;
	[tilespmem:$0x10A00] =	vst v63  }
0x36: {  	_ =	swait.ge [sflag:s22], $0x4000  }
0x37: {  	[sflag:s22] =	ssyncset.done $0x0  }
0x38: {  	s31 =	sadd.s32 $0x0, s11;
	[sflag:s22] =	ssyncadd.s32 $0xFFFFC000  }
0x39: {  	[hbm4b:s31+s2] =	stream.linear.scatter [tilespmem:s21], [sflag:$0x2], $0x4000, $0x38;
	[tilespmem:$0x10A00] =	vst v63  }
0x3a: {  	_ =	swait.ge [sflag:s14], $0x4000  }
0x3b: {  	s24 =	simm.s32 $0x380;
	[sflag:s14] =	ssyncset.done $0x0  }
0x3c: {  	s25 =	simm.s32 $0x2000;
	s26 =	simm.s32 $0x580;
	[sflag:s14] =	ssyncadd.s32 $0xFFFFC000  }
.LBB2_2:
0x3d: {  	[tilespmem:s21], [sflag:$0x1] =	stream.indirect.gather [hbm4b:s3+s15], $0x80, s24, s15, $0xb8;
	[tilespmem:$0x10A00] =	vst v63  }
0x3e: {  	s28 =	smov.u32 s25;
	s24 =	smov.u32 s26  }
0x3f: {  	p0 =	sne.s32 s25, $0x6000;
	s25 =	sadd.s32 $0x2000, s25;
	_ =	swait.ge [sflag:s22], $0x4000  }
0x40: {  	[sflag:s22] =	ssyncset.done $0x0  }
0x41: {  	s29 =	sadd.s32 s28, s10;
	[sflag:s22] =	ssyncadd.s32 $0xFFFFC000  }
0x42: {  	[hbm4b:s29+s2] =	stream.linear.scatter [tilespmem:s16], [sflag:$0x2], $0x4000, $0x38;
	[tilespmem:$0x10A00] =	vst v63  }
0x43: {  	_ =	swait.ge [sflag:s14], $0x4000  }
0x44: {  	[sflag:s14] =	ssyncset.done $0x0  }
0x45: {  	s29 =	sadd.s32 $0xFFFFFE80, s26;
	[sflag:s14] =	ssyncadd.s32 $0xFFFFC000  }
0x46: {  	[tilespmem:s16], [sflag:$0x1] =	stream.indirect.gather [hbm4b:s3+s15], $0x80, s29, s15, $0xb8;
	[tilespmem:$0x10A00] =	vst v63  }
0x47: {  	_ =	swait.ge [sflag:s22], $0x4000  }
0x48: {  	[sflag:s22] =	ssyncset.done $0x0  }
0x49: {  	s29 =	sadd.s32 s28, s13;
	[sflag:s22] =	ssyncadd.s32 $0xFFFFC000  }
0x4a: {  	[hbm4b:s29+s2] =	stream.linear.scatter [tilespmem:s17], [sflag:$0x2], $0x4000, $0x38;
	[tilespmem:$0x10A00] =	vst v63  }
0x4b: {  	_ =	swait.ge [sflag:s14], $0x4000  }
0x4c: {  	[sflag:s14] =	ssyncset.done $0x0  }
0x4d: {  	s29 =	sadd.s32 $0xFFFFFF00, s26;
	[sflag:s14] =	ssyncadd.s32 $0xFFFFC000  }
0x4e: {  	[tilespmem:s17], [sflag:$0x1] =	stream.indirect.gather [hbm4b:s3+s15], $0x80, s29, s15, $0xb8;
	[tilespmem:$0x10A00] =	vst v63  }
0x4f: {  	_ =	swait.ge [sflag:s22], $0x4000  }
0x50: {  	[sflag:s22] =	ssyncset.done $0x0  }
0x51: {  	s29 =	sadd.s32 s28, s12;
	[sflag:s22] =	ssyncadd.s32 $0xFFFFC000  }
0x52: {  	[hbm4b:s29+s2] =	stream.linear.scatter [tilespmem:s19], [sflag:$0x2], $0x4000, $0x38;
	[tilespmem:$0x10A00] =	vst v63  }
0x53: {  	_ =	swait.ge [sflag:s14], $0x4000  }
0x54: {  	[sflag:s14] =	ssyncset.done $0x0  }
0x55: {  	s29 =	sadd.s32 $0xFFFFFF80, s26;
	[sflag:s14] =	ssyncadd.s32 $0xFFFFC000  }
0x56: {  	[tilespmem:s19], [sflag:$0x1] =	stream.indirect.gather [hbm4b:s3+s15], $0x80, s29, s15, $0xb8;
	[tilespmem:$0x10A00] =	vst v63  }
0x57: {  	_ =	swait.ge [sflag:s22], $0x4000  }
0x58: {  	[sflag:s22] =	ssyncset.done $0x0  }
.Ltmp0:
0x59: {  	s28 =	sadd.s32 s28, s11;
	[sflag:s22] =	ssyncadd.s32 $0xFFFFC000;
	(pc) =	sbr.rel @p0 .LBB2_2-.Ltmp0, $4  }
0x5a: {  	[hbm4b:s28+s2] =	stream.linear.scatter [tilespmem:s21], [sflag:$0x2], $0x4000, $0x38;
	[tilespmem:$0x10A00] =	vst v63  }
0x5b: {  	_ =	swait.ge [sflag:s14], $0x4000  }
0x5c: {  	[sflag:s14] =	ssyncset.done $0x0  }
0x5d: {  	s26 =	sadd.s32 $0x200, s26;
	[sflag:s14] =	ssyncadd.s32 $0xFFFFC000  }
0x5e: {  	[tilespmem:s21], [sflag:$0x1] =	stream.indirect.gather [hbm4b:s3+s15], $0x80, s24, s15, $0xb8;
	[tilespmem:$0x10A00] =	vst v63  }
0x5f: {  	_ =	swait.ge [sflag:s22], $0x4000  }
0x60: {  	[sflag:s22] =	ssyncset.done $0x0  }
0x61: {  	[sflag:s22] =	ssyncadd.s32 $0xFFFFC000  }
0x62: {  	[hbm4b:s6+s2] =	stream.linear.scatter [tilespmem:s16], [sflag:$0x2], $0x4000, $0x38;
	[tilespmem:$0x10A00] =	vst v63  }
0x63: {  	_ =	swait.ge [sflag:s14], $0x4000  }
0x64: {  	[sflag:s14] =	ssyncset.done $0x0  }
0x65: {  	[sflag:s14] =	ssyncadd.s32 $0xFFFFC000  }
0x66: {  	_ =	swait.ge [sflag:s22], $0x4000  }
0x67: {  	[sflag:s22] =	ssyncset.done $0x0  }
0x68: {  	[sflag:s22] =	ssyncadd.s32 $0xFFFFC000  }
0x69: {  	[hbm4b:s7+s2] =	stream.linear.scatter [tilespmem:s17], [sflag:$0x2], $0x4000, $0x38;
	[tilespmem:$0x10A00] =	vst v63  }
0x6a: {  	_ =	swait.ge [sflag:s14], $0x4000  }
0x6b: {  	[sflag:s14] =	ssyncset.done $0x0  }
0x6c: {  	[sflag:s14] =	ssyncadd.s32 $0xFFFFC000  }
0x6d: {  	_ =	swait.ge [sflag:s22], $0x4000  }
0x6e: {  	[sflag:s22] =	ssyncset.done $0x0  }
0x6f: {  	[sflag:s22] =	ssyncadd.s32 $0xFFFFC000  }
0x70: {  	[hbm4b:s8+s2] =	stream.linear.scatter [tilespmem:s19], [sflag:$0x2], $0x4000, $0x38;
	[tilespmem:$0x10A00] =	vst v63  }
0x71: {  	_ =	swait.ge [sflag:s14], $0x4000  }
0x72: {  	[sflag:s14] =	ssyncset.done $0x0  }
0x73: {  	[sflag:s14] =	ssyncadd.s32 $0xFFFFC000  }
0x74: {  	s23 =	sadd.s32 $0x1, s23;
	_ =	swait.ge [sflag:s22], $0x4000  }
0x75: {  	p0 =	sne.s32 s23, s5;
	[sflag:s22] =	ssyncset.done $0x0  }
.Ltmp1:
0x76: {  	[sflag:s22] =	ssyncadd.s32 $0xFFFFC000;
	(pc) =	sbr.rel @p0 .LBB2_1-.Ltmp1, $4  }
0x77: {  	[hbm4b:s9+s2] =	stream.linear.scatter [tilespmem:s21], [sflag:$0x2], $0x4000, $0x38;
	[tilespmem:$0x10A00] =	vst v63  }
0x78: {  	_ =	swait.ge [sflag:s14], $0x4000  }
0x79: {  	[sflag:s14] =	ssyncset.done $0x0  }
0x7a: {  	[sflag:s14] =	ssyncadd.s32 $0xFFFFC000  }
0x7b: {  	_ =	sfence.sel $0x180000  }
0x7c: {  	[bflag:$0x0] =	sbarrier.arrive $0xFFFF  }
0x7d: {  	p0 =	sne.s32 s0, $0x0;
	_ =	strace $0x90000047  }
0x7e: {  	s0 =	sadd.s32 @!p0 $0x100000, s1;
	[bflag:$0x2] =	sbarrier.arrive $0xFFFF  }
0x7f: {  	[sflag:s0] =	ssyncadd.tile.s32 @!p0 $0x1;
	_ =	shalt  }
.Lfunc_end2:
_tile_overlayer_lowered:
.L_overlay_start_2:
0x80: {  	(tag) =	ssettag $0x2  }
0x81: {  	s0 =	rddreg [dreg:$0x0];
	s2 =	stileid.u32  }
0x82: {  	s1 =	rddreg [dreg:$0x1];
	p0 =	sne.s32 s2, $0x0  }
0x83: {  	s3 =	rddreg [dreg:$0x2];
	[bflag:$0x3] =	sbarrier.arrive $0xFFFF;
	s2 =	simm.s32 @!p0 $0x1C02  }
0x84: {  	[timem:s3], [sflag:s2] =	dma.local @!p0 [hbm:s0], s1  }
0x85: {  	s0 =	simm.s32 @!p0 $0x2  }
0x86: {  	_ =	swait.ge @!p0 [sflag:s0], s1  }
0x87: {  	s1 =	ssub.s32 @!p0 $0x0, s1;
	[sflag:s0] =	ssyncset.done @!p0 $0x0  }
0x88: {  	[sflag:s0] =	ssyncadd.s32 @!p0 s1  }
0x89: {  	[bflag:$0x3] =	sbarrier.arrive $0xFFFF  }
0x8a: {  	_ =	shalt  }

</sc_bundles>
